<compile_context>
chip_gen: v7x
topology: tpu7x:2x2x1
jax: 0.10.2.dev20260603
libtpu: 0.0.44.dev20260713+nightly
codegen_flags: <defaults>
</compile_context>

<pallas_src>
import math

import jax
import jax.numpy as jnp
from jax.experimental import pallas as pl
from jax.experimental.pallas import tpu as pltpu

H = 512
M = 65536
BATCH = 8
TM = 1024
NT = M // TM
SCALE = 1.0 / math.sqrt(H)


def _pass1_body(h_ref, wq_ref, bq_ref, wk_ref, bk_ref, wv_ref, bv_ref,
                age_ref, k_ref,
                nk_ref, probs_ref, updk_ref, updv_ref, idx_ref, counts_ref,
                maxsc_ref, usage_ref, age_out_ref,
                q_scr, s_scr):
    i = pl.program_id(0)

    @pl.when(i == 0)
    def _():
        h = h_ref[...]
        q_scr[...] = (jnp.dot(h, wq_ref[...].T,
                              preferred_element_type=jnp.float32)
                      + bq_ref[...]) * SCALE
        updk_ref[...] = jnp.dot(h[0:1], wk_ref[...].T,
                                preferred_element_type=jnp.float32) + bk_ref[...]
        updv_ref[...] = jnp.dot(h[0:1], wv_ref[...].T,
                                preferred_element_type=jnp.float32) + bv_ref[...]

    k = k_ref[...]
    nk_ref[...] = k
    s_scr[:, pl.ds(i * TM, TM)] = jnp.dot(q_scr[...], k.T,
                                          preferred_element_type=jnp.float32)

    @pl.when(i == NT - 1)
    def _():
        s = s_scr[...]
        m = jnp.max(s, axis=1, keepdims=True)
        e = jnp.exp(s - m)
        z = jnp.sum(e, axis=1, keepdims=True)
        p = e / z
        probs_ref[...] = p
        imp = jnp.sum(p, axis=0, keepdims=True)
        age1 = age_ref[...] + 1.0
        t = age1 + (1.0 - imp)
        maxv = jnp.max(t)
        iota = jax.lax.broadcasted_iota(jnp.int32, (1, M), 1)
        idx = jnp.min(jnp.where(t == maxv, iota, M))
        idx_ref[...] = jnp.full((1, 1), idx, jnp.int32)
        counts_ref[...] = jnp.sum((p > 0.01).astype(jnp.int32), axis=0,
                                  keepdims=True)
        maxsc_ref[...] = jnp.full((1, 1), jnp.mean(m), jnp.float32)
        new_age = jnp.where(iota == idx, 0.0, age1)
        age_out_ref[...] = new_age
        usage_ref[...] = jnp.full(
            (1, 1), jnp.mean((new_age > 0.0).astype(jnp.float32)), jnp.float32)


def _pass2_body(p_ref, v_ref, updv_ref, wo_ref, bo_ref, idx_ref,
                nv_ref, out_ref, acc_scr):
    i = pl.program_id(0)
    v = v_ref[...]

    @pl.when(i == 0)
    def _():
        acc_scr[...] = jnp.zeros_like(acc_scr)

    acc_scr[...] += jnp.dot(p_ref[...], v, preferred_element_type=jnp.float32)
    rows = jax.lax.broadcasted_iota(jnp.int32, (TM, 1), 0) + i * TM
    nv_ref[...] = jnp.where(rows == idx_ref[0], updv_ref[...], v)

    @pl.when(i == NT - 1)
    def _():
        out_ref[...] = jnp.dot(acc_scr[...], wo_ref[...].T,
                               preferred_element_type=jnp.float32) + bo_ref[...]


def _scatter_body(idx_ref, big_ref, upd_ref, out_ref):
    del idx_ref, big_ref
    out_ref[...] = upd_ref[...]


def kernel(hidden_states, Wq, bq, Wk, bk, Wv, bv, Wo, bo,
           memory_keys, memory_values, memory_age):
    f32 = jnp.float32
    h = hidden_states.reshape(BATCH, H)
    keys2 = memory_keys.reshape(M, H)
    vals2 = memory_values.reshape(M, H)
    bq2 = bq.reshape(1, H)
    bk2 = bk.reshape(1, H)
    bv2 = bv.reshape(1, H)
    bo2 = bo.reshape(1, H)

    def const(shape):
        return pl.BlockSpec(shape, lambda *_: (0,) * len(shape))

    nk, probs, updk, updv, idx11, counts, maxsc, usage, new_age = pl.pallas_call(
        _pass1_body,
        grid=(NT,),
        in_specs=[
            const((BATCH, H)),
            const((H, H)),
            const((1, H)),
            const((H, H)),
            const((1, H)),
            const((H, H)),
            const((1, H)),
            const((1, M)),
            pl.BlockSpec((TM, H), lambda i: (i, 0)),
        ],
        out_specs=[
            pl.BlockSpec((TM, H), lambda i: (i, 0)),
            const((BATCH, M)),
            const((1, H)),
            const((1, H)),
            const((1, 1)),
            const((1, M)),
            const((1, 1)),
            const((1, 1)),
            const((1, M)),
        ],
        out_shape=[
            jax.ShapeDtypeStruct((M, H), f32),
            jax.ShapeDtypeStruct((BATCH, M), f32),
            jax.ShapeDtypeStruct((1, H), f32),
            jax.ShapeDtypeStruct((1, H), f32),
            jax.ShapeDtypeStruct((1, 1), jnp.int32),
            jax.ShapeDtypeStruct((1, M), jnp.int32),
            jax.ShapeDtypeStruct((1, 1), f32),
            jax.ShapeDtypeStruct((1, 1), f32),
            jax.ShapeDtypeStruct((1, M), f32),
        ],
        scratch_shapes=[
            pltpu.VMEM((BATCH, H), f32),
            pltpu.VMEM((BATCH, M), f32),
        ],
        compiler_params=pltpu.CompilerParams(
            dimension_semantics=("arbitrary",)),
    )(h, Wq, bq2, Wk, bk2, Wv, bv2, memory_age, keys2)

    idx1 = idx11.reshape(1)

    nv, out = pl.pallas_call(
        _pass2_body,
        grid=(NT,),
        in_specs=[
            pl.BlockSpec((BATCH, TM), lambda i: (0, i)),
            pl.BlockSpec((TM, H), lambda i: (i, 0)),
            const((1, H)),
            const((H, H)),
            const((1, H)),
            pl.BlockSpec(memory_space=pltpu.SMEM),
        ],
        out_specs=[
            pl.BlockSpec((TM, H), lambda i: (i, 0)),
            const((BATCH, H)),
        ],
        out_shape=[
            jax.ShapeDtypeStruct((M, H), f32),
            jax.ShapeDtypeStruct((BATCH, H), f32),
        ],
        scratch_shapes=[pltpu.VMEM((BATCH, H), f32)],
        compiler_params=pltpu.CompilerParams(
            dimension_semantics=("arbitrary",)),
    )(probs, vals2, updv, Wo, bo2, idx1)

    nk3 = nk.reshape(M, 1, H)
    updk3 = updk.reshape(1, 1, H)
    nk_final = pl.pallas_call(
        _scatter_body,
        grid_spec=pltpu.PrefetchScalarGridSpec(
            num_scalar_prefetch=1,
            grid=(1,),
            in_specs=[
                pl.BlockSpec(memory_space=pl.ANY),
                pl.BlockSpec((1, 1, H), lambda i, idx_ref: (0, 0, 0)),
            ],
            out_specs=pl.BlockSpec((1, 1, H),
                                   lambda i, idx_ref: (idx_ref[0], 0, 0)),
        ),
        out_shape=jax.ShapeDtypeStruct((M, 1, H), f32),
        input_output_aliases={1: 0},
    )(idx1, nk3, updk3)

    output = out.reshape(BATCH, 1, H)
    max_scores = maxsc.reshape(())
    memory_usage = usage.reshape(())
    new_keys = nk_final.reshape(1, M, H)
    new_values = nv.reshape(1, M, H)
    return (output, counts, max_scores, memory_usage,
            new_keys, new_values, new_age)

# --- scband reference (transcript-rebuilt; emitter-appended) ---
"""Pipeline reference for scband-memory-block-12979391168580 (READ-ONLY COPY).

The authoritative reference and input builder live on the scoring server;
editing this copy changes nothing except your own understanding.
"""

import jax, jax.numpy as jnp
import numpy as np
import math

H = 512
M = 65536
B = 8
S = 1
HEADS = 1


def setup_inputs(seed: int = 0) -> dict:
    key = jax.random.key(seed)
    ks = jax.random.split(key, 10)
    bound = 1.0 / math.sqrt(H)
    def lin_w(k):
        return jax.random.uniform(k, (H, H), jnp.float32, -bound, bound)
    def lin_b(k):
        return jax.random.uniform(k, (H,), jnp.float32, -bound, bound)
    return {
        "hidden_states": jax.random.normal(ks[0], (B, S, H), jnp.float32),
        "Wq": lin_w(ks[1]), "bq": lin_b(ks[2]),
        "Wk": lin_w(ks[3]), "bk": lin_b(ks[4]),
        "Wv": lin_w(ks[5]), "bv": lin_b(ks[6]),
        "Wo": lin_w(ks[7]), "bo": lin_b(ks[8]),
        "memory_keys": jnp.zeros((HEADS, M, H), jnp.float32),
        "memory_values": jnp.zeros((HEADS, M, H), jnp.float32),
        "memory_age": jnp.zeros((HEADS, M), jnp.float32),
    }


def reference(hidden_states, Wq, bq, Wk, bk, Wv, bv, Wo, bo,
              memory_keys, memory_values, memory_age):
    batch, seq, hidden = hidden_states.shape
    heads = memory_keys.shape[0]
    queries = hidden_states @ Wq.T + bq
    keys = hidden_states @ Wk.T + bk
    values = hidden_states @ Wv.T + bv
    queries = queries.reshape(batch, seq, heads, -1)
    keys = keys.reshape(batch, seq, heads, -1)
    values = values.reshape(batch, seq, heads, -1)
    memory_scores = jnp.einsum('bshd,hmd->bshm', queries, memory_keys)
    memory_scores = memory_scores / math.sqrt(hidden)
    memory_probs = jax.nn.softmax(memory_scores, axis=-1)
    memory_output = jnp.einsum('bshm,hmd->bshd', memory_probs, memory_values)
    output = memory_output.reshape(batch, seq, hidden) @ Wo.T + bo
    # functional version of in-place buffer update (_update_memory)
    new_age = memory_age + 1.0
    importance = memory_probs.sum(axis=(0, 1))  # [heads, M]
    _, update_indices = jax.lax.top_k(new_age + (1.0 - importance), seq)  # [heads, seq]
    head_idx = jnp.arange(heads)[:, None]
    upd_k = keys[0, -1]      # [heads, d]
    upd_v = values[0, -1]    # [heads, d]
    new_keys = memory_keys.at[head_idx, update_indices].set(upd_k[:, None, :])
    new_values = memory_values.at[head_idx, update_indices].set(upd_v[:, None, :])
    new_age = new_age.at[head_idx, update_indices].set(0.0)
    access_counts = jnp.sum(memory_probs > 0.01, axis=(0, 1))
    max_scores = jnp.max(memory_scores, axis=-1).mean()
    memory_usage = jnp.mean((new_age > 0).astype(jnp.float32))
    return (output, access_counts, max_scores, memory_usage, new_keys, new_values, new_age)

if __name__ == "__main__":
    import jax
    _d = setup_inputs()
    print(jax.jit(kernel)(*tuple(_d.values())))

</pallas_src>

<mosaic_0001>
module attributes {stable_mosaic.version = 14 : i64} {
  func.func @_scatter_body(%arg0: i32, %arg1: memref<1xi32, #tpu.memory_space<smem>>, %arg2: memref<65536x1x512xf32, #tpu.memory_space<any>>, %arg3: memref<1x1x512xf32, #tpu.memory_space<vmem>>, %arg4: memref<1x1x512xf32, #tpu.memory_space<vmem>>) attributes {dimension_semantics = [#tpu.dimension_semantics<arbitrary>], iteration_bounds = array<i64: 1>, scalar_prefetch = 1 : i64, scratch_operands = 0 : i64, tpu.core_type = #tpu.core_type<tc>, window_params = [{}, {pipeline_mode = #tpu.pipeline_mode<synchronous>, transform_indices = @transform_1, window_bounds = array<i64: 1, 1, 512>}, {transform_indices = @transform_2, window_bounds = array<i64: 1, 1, 512>}]} {
    %get3A = arith.constant 0 : index
    %get3A_0 = arith.constant 0 : index
    %get3A_1 = arith.constant 0 : index
    %get3A_2 = vector.load %arg3[%get3A, %get3A_0, %get3A_1] : memref<1x1x512xf32, #tpu.memory_space<vmem>>, vector<1x1x512xf32>
    %swap3A = arith.constant 0 : index
    %swap3A_3 = arith.constant 0 : index
    %swap3A_4 = arith.constant 0 : index
    %swap3A_5 = vector.load %arg4[%swap3A, %swap3A_3, %swap3A_4] : memref<1x1x512xf32, #tpu.memory_space<vmem>>, vector<1x1x512xf32>
    tpu.vector_store %arg4[%swap3A, %swap3A_3, %swap3A_4], %get3A_2 {strides = array<i32>} : memref<1x1x512xf32, #tpu.memory_space<vmem>>, vector<1x1x512xf32>,
    return
  }
  func.func @transform_1(%arg0: i32, %arg1: memref<1xi32, #tpu.memory_space<smem>>) -> (i32, i32, i32) {
    %c0_i32 = arith.constant 0 : i32
    %c0_i32_0 = arith.constant 0 : i32
    %c0_i32_1 = arith.constant 0 : i32
    %c0_i32_2 = arith.constant 0 : i32
    return %c0_i32, %c0_i32_0, %c0_i32_1 : i32, i32, i32
  }
  func.func @transform_2(%arg0: i32, %arg1: memref<1xi32, #tpu.memory_space<smem>>) -> (i32, i32, i32) {
    %get3A = arith.constant 0 : index
    %get3A_0 = memref.load %arg1[%get3A] : memref<1xi32, #tpu.memory_space<smem>>
    %c0_i32 = arith.constant 0 : i32
    %c0_i32_1 = arith.constant 0 : i32
    %c0_i32_2 = arith.constant 0 : i32
    return %get3A_0, %c0_i32, %c0_i32_1 : i32, i32, i32
  }
}

module attributes {stable_mosaic.version = 14 : i64} {
  func.func @_pass2_body(%arg0: i32, %arg1: memref<8x1024xf32, #tpu.memory_space<vmem>>, %arg2: memref<1024x512xf32, #tpu.memory_space<vmem>>, %arg3: memref<1x512xf32, #tpu.memory_space<vmem>>, %arg4: memref<512x512xf32, #tpu.memory_space<vmem>>, %arg5: memref<1x512xf32, #tpu.memory_space<vmem>>, %arg6: memref<1xi32, #tpu.memory_space<smem>>, %arg7: memref<1024x512xf32, #tpu.memory_space<vmem>>, %arg8: memref<8x512xf32, #tpu.memory_space<vmem>>, %arg9: memref<8x512xf32, #tpu.memory_space<vmem>>) attributes {dimension_semantics = [#tpu.dimension_semantics<arbitrary>], iteration_bounds = array<i64: 64>, scalar_prefetch = 0 : i64, scratch_operands = 1 : i64, tpu.core_type = #tpu.core_type<tc>, window_params = [{transform_indices = @transform_0, window_bounds = array<i64: 8, 1024>}, {transform_indices = @transform_1, window_bounds = array<i64: 1024, 512>}, {pipeline_mode = #tpu.pipeline_mode<synchronous>, transform_indices = @transform_2, window_bounds = array<i64: 1, 512>}, {pipeline_mode = #tpu.pipeline_mode<synchronous>, transform_indices = @transform_3, window_bounds = array<i64: 512, 512>}, {pipeline_mode = #tpu.pipeline_mode<synchronous>, transform_indices = @transform_4, window_bounds = array<i64: 1, 512>}, {transform_indices = @transform_5, window_bounds = array<i64: 1>}, {transform_indices = @transform_6, window_bounds = array<i64: 1024, 512>}, {pipeline_mode = #tpu.pipeline_mode<synchronous>, transform_indices = @transform_7, window_bounds = array<i64: 8, 512>}]} {
    %get3A = arith.constant 0 : index
    %get3A_0 = arith.constant 0 : index
    %get3A_1 = vector.load %arg2[%get3A, %get3A_0] : memref<1024x512xf32, #tpu.memory_space<vmem>>, vector<1024x512xf32>
    %eq3A = arith.constant 0 : i32
    %eq3A_2 = arith.cmpi eq, %arg0, %eq3A : i32
    %convert_element_type3A = arith.extui %eq3A_2 : i1 to i32
    %cond3A = arith.constant 0 : i32
    %cond3A_3 = arith.cmpi ne, %convert_element_type3A, %cond3A : i32
    scf.if %cond3A_3 {
      %broadcast_in_dim3A_34 = arith.constant 0.000000e+00 : f32
      %broadcast_in_dim3A_35 = vector.broadcast %broadcast_in_dim3A_34 : f32 to vector<8x512xf32>
      %swap3A_36 = arith.constant 0 : index
      %swap3A_37 = arith.constant 0 : index
      %swap3A_38 = vector.load %arg9[%swap3A_36, %swap3A_37] : memref<8x512xf32, #tpu.memory_space<vmem>>, vector<8x512xf32>
      tpu.vector_store %arg9[%swap3A_36, %swap3A_37], %broadcast_in_dim3A_35 {strides = array<i32>} : memref<8x512xf32, #tpu.memory_space<vmem>>, vector<8x512xf32>,
    } else {
    }
    %get3A_4 = arith.constant 0 : index
    %get3A_5 = arith.constant 0 : index
    %get3A_6 = vector.load %arg9[%get3A_4, %get3A_5] : memref<8x512xf32, #tpu.memory_space<vmem>>, vector<8x512xf32>
    %get3A_7 = arith.constant 0 : index
    %get3A_8 = arith.constant 0 : index
    %get3A_9 = vector.load %arg1[%get3A_7, %get3A_8] : memref<8x1024xf32, #tpu.memory_space<vmem>>, vector<8x1024xf32>
    %dot_general3A = arith.constant dense<0.000000e+00> : vector<8x512xf32>
    %dot_general3A_10 = tpu.matmul %get3A_9, %get3A_1, %dot_general3A {dimension_numbers = #tpu.dot_dimension_numbers<[1], [0], [0], [1], [0, 0, 1, 1], [], []>, transpose_lhs_hint = false} : vector<8x1024xf32>, vector<1024x512xf32>, vector<8x512xf32> -> vector<8x512xf32>
    %add3A = arith.addf %get3A_6, %dot_general3A_10 : vector<8x512xf32>
    %swap3A = arith.constant 0 : index
    %swap3A_11 = arith.constant 0 : index
    %swap3A_12 = vector.load %arg9[%swap3A, %swap3A_11] : memref<8x512xf32, #tpu.memory_space<vmem>>, vector<8x512xf32>
    tpu.vector_store %arg9[%swap3A, %swap3A_11], %add3A {strides = array<i32>} : memref<8x512xf32, #tpu.memory_space<vmem>>, vector<8x512xf32>,
    %iota3A = tpu.iota {dimensions = array<i32: 0>} : vector<1024x1xi32>
    %mul3A = arith.constant 1024 : i32
    %mul3A_13 = arith.muli %arg0, %mul3A : i32
    %add3A_14 = vector.broadcast %mul3A_13 : i32 to vector<1024x1xi32>
    %add3A_15 = arith.addi %iota3A, %add3A_14 : vector<1024x1xi32>
    %get3A_16 = arith.constant 0 : index
    %get3A_17 = memref.load %arg6[%get3A_16] : memref<1xi32, #tpu.memory_space<smem>>
    %eq3A_18 = vector.broadcast %get3A_17 : i32 to vector<1024x1xi32>
    %eq3A_19 = arith.cmpi eq, %add3A_15, %eq3A_18 : vector<1024x1xi32>
    %get3A_20 = arith.constant 0 : index
    %get3A_21 = arith.constant 0 : index
    %get3A_22 = vector.load %arg3[%get3A_20, %get3A_21] : memref<1x512xf32, #tpu.memory_space<vmem>>, vector<1x512xf32>
    %broadcast_in_dim3A = vector.shape_cast %eq3A_19 : vector<1024x1xi1> to vector<1024x1xi1>
    %broadcast_in_dim3A_23 = vector.broadcast %broadcast_in_dim3A : vector<1024x1xi1> to vector<1024x512xi1>
    %broadcast_in_dim3A_24 = vector.shape_cast %get3A_22 : vector<1x512xf32> to vector<1x512xf32>
    %broadcast_in_dim3A_25 = vector.broadcast %broadcast_in_dim3A_24 : vector<1x512xf32> to vector<1024x512xf32>
    %select_n3A = arith.select %broadcast_in_dim3A_23, %broadcast_in_dim3A_25, %get3A_1 : vector<1024x512xi1>, vector<1024x512xf32>
    %swap3A_26 = arith.constant 0 : index
    %swap3A_27 = arith.constant 0 : index
    %swap3A_28 = vector.load %arg7[%swap3A_26, %swap3A_27] : memref<1024x512xf32, #tpu.memory_space<vmem>>, vector<1024x512xf32>
    tpu.vector_store %arg7[%swap3A_26, %swap3A_27], %select_n3A {strides = array<i32>} : memref<1024x512xf32, #tpu.memory_space<vmem>>, vector<1024x512xf32>,
    %eq3A_29 = arith.constant 63 : i32
    %eq3A_30 = arith.cmpi eq, %arg0, %eq3A_29 : i32
    %convert_element_type3A_31 = arith.extui %eq3A_30 : i1 to i32
    %cond3A_32 = arith.constant 0 : i32
    %cond3A_33 = arith.cmpi ne, %convert_element_type3A_31, %cond3A_32 : i32
    scf.if %cond3A_33 {
      %get3A_34 = arith.constant 0 : index
      %get3A_35 = arith.constant 0 : index
      %get3A_36 = vector.load %arg9[%get3A_34, %get3A_35] : memref<8x512xf32, #tpu.memory_space<vmem>>, vector<8x512xf32>
      %get3A_37 = arith.constant 0 : index
      %get3A_38 = arith.constant 0 : index
      %get3A_39 = vector.load %arg4[%get3A_37, %get3A_38] : memref<512x512xf32, #tpu.memory_space<vmem>>, vector<512x512xf32>
      %transpose3A = tpu.transpose %get3A_39, [1, 0] : vector<512x512xf32> -> vector<512x512xf32>
      %dot_general3A_40 = arith.constant dense<0.000000e+00> : vector<8x512xf32>
      %dot_general3A_41 = tpu.matmul %get3A_36, %transpose3A, %dot_general3A_40 {dimension_numbers = #tpu.dot_dimension_numbers<[1], [0], [0], [1], [0, 0, 1, 1], [], []>, transpose_lhs_hint = false} : vector<8x512xf32>, vector<512x512xf32>, vector<8x512xf32> -> vector<8x512xf32>
      %get3A_42 = arith.constant 0 : index
      %get3A_43 = arith.constant 0 : index
      %get3A_44 = vector.load %arg5[%get3A_42, %get3A_43] : memref<1x512xf32, #tpu.memory_space<vmem>>, vector<1x512xf32>
      %add3A_45 = vector.broadcast %get3A_44 : vector<1x512xf32> to vector<8x512xf32>
      %add3A_46 = arith.addf %dot_general3A_41, %add3A_45 : vector<8x512xf32>
      %swap3A_47 = arith.constant 0 : index
      %swap3A_48 = arith.constant 0 : index
      %swap3A_49 = vector.load %arg8[%swap3A_47, %swap3A_48] : memref<8x512xf32, #tpu.memory_space<vmem>>, vector<8x512xf32>
      tpu.vector_store %arg8[%swap3A_47, %swap3A_48], %add3A_46 {strides = array<i32>} : memref<8x512xf32, #tpu.memory_space<vmem>>, vector<8x512xf32>,
    } else {
    }
    return
  }
  func.func @transform_0(%arg0: i32) -> (i32, i32) {
    %c0_i32 = arith.constant 0 : i32
    %c0_i32_0 = arith.constant 0 : i32
    return %c0_i32, %arg0 : i32, i32
  }
  func.func @transform_1(%arg0: i32) -> (i32, i32) {
    %c0_i32 = arith.constant 0 : i32
    %c0_i32_0 = arith.constant 0 : i32
    return %arg0, %c0_i32 : i32, i32
  }
  func.func @transform_2(%arg0: i32) -> (i32, i32) {
    %c0_i32 = arith.constant 0 : i32
    %c0_i32_0 = arith.constant 0 : i32
    %c0_i32_1 = arith.constant 0 : i32
    return %c0_i32, %c0_i32_0 : i32, i32
  }
  func.func @transform_3(%arg0: i32) -> (i32, i32) {
    %c0_i32 = arith.constant 0 : i32
    %c0_i32_0 = arith.constant 0 : i32
    %c0_i32_1 = arith.constant 0 : i32
    return %c0_i32, %c0_i32_0 : i32, i32
  }
  func.func @transform_4(%arg0: i32) -> (i32, i32) {
    %c0_i32 = arith.constant 0 : i32
    %c0_i32_0 = arith.constant 0 : i32
    %c0_i32_1 = arith.constant 0 : i32
    return %c0_i32, %c0_i32_0 : i32, i32
  }
  func.func @transform_5(%arg0: i32) -> i32 {
    %c0_i32 = arith.constant 0 : i32
    %c0_i32_0 = arith.constant 0 : i32
    return %c0_i32 : i32
  }
  func.func @transform_6(%arg0: i32) -> (i32, i32) {
    %c0_i32 = arith.constant 0 : i32
    %c0_i32_0 = arith.constant 0 : i32
    return %arg0, %c0_i32 : i32, i32
  }
  func.func @transform_7(%arg0: i32) -> (i32, i32) {
    %c0_i32 = arith.constant 0 : i32
    %c0_i32_0 = arith.constant 0 : i32
    %c0_i32_1 = arith.constant 0 : i32
    return %c0_i32, %c0_i32_0 : i32, i32
  }
}

module attributes {stable_mosaic.version = 14 : i64} {
  func.func @_pass1_body(%arg0: i32, %arg1: memref<8x512xf32, #tpu.memory_space<vmem>>, %arg2: memref<512x512xf32, #tpu.memory_space<vmem>>, %arg3: memref<1x512xf32, #tpu.memory_space<vmem>>, %arg4: memref<512x512xf32, #tpu.memory_space<vmem>>, %arg5: memref<1x512xf32, #tpu.memory_space<vmem>>, %arg6: memref<512x512xf32, #tpu.memory_space<vmem>>, %arg7: memref<1x512xf32, #tpu.memory_space<vmem>>, %arg8: memref<1x65536xf32, #tpu.memory_space<vmem>>, %arg9: memref<1024x512xf32, #tpu.memory_space<vmem>>, %arg10: memref<1024x512xf32, #tpu.memory_space<vmem>>, %arg11: memref<8x65536xf32, #tpu.memory_space<vmem>>, %arg12: memref<1x512xf32, #tpu.memory_space<vmem>>, %arg13: memref<1x512xf32, #tpu.memory_space<vmem>>, %arg14: memref<1x1xi32, #tpu.memory_space<vmem>>, %arg15: memref<1x65536xi32, #tpu.memory_space<vmem>>, %arg16: memref<1x1xf32, #tpu.memory_space<vmem>>, %arg17: memref<1x1xf32, #tpu.memory_space<vmem>>, %arg18: memref<1x65536xf32, #tpu.memory_space<vmem>>, %arg19: memref<8x512xf32, #tpu.memory_space<vmem>>, %arg20: memref<8x65536xf32, #tpu.memory_space<vmem>>) attributes {dimension_semantics = [#tpu.dimension_semantics<arbitrary>], iteration_bounds = array<i64: 64>, scalar_prefetch = 0 : i64, scratch_operands = 2 : i64, tpu.core_type = #tpu.core_type<tc>, window_params = [{pipeline_mode = #tpu.pipeline_mode<synchronous>, transform_indices = @transform_0, window_bounds = array<i64: 8, 512>}, {pipeline_mode = #tpu.pipeline_mode<synchronous>, transform_indices = @transform_1, window_bounds = array<i64: 512, 512>}, {pipeline_mode = #tpu.pipeline_mode<synchronous>, transform_indices = @transform_2, window_bounds = array<i64: 1, 512>}, {pipeline_mode = #tpu.pipeline_mode<synchronous>, transform_indices = @transform_3, window_bounds = array<i64: 512, 512>}, {pipeline_mode = #tpu.pipeline_mode<synchronous>, transform_indices = @transform_4, window_bounds = array<i64: 1, 512>}, {pipeline_mode = #tpu.pipeline_mode<synchronous>, transform_indices = @transform_5, window_bounds = array<i64: 512, 512>}, {pipeline_mode = #tpu.pipeline_mode<synchronous>, transform_indices = @transform_6, window_bounds = array<i64: 1, 512>}, {pipeline_mode = #tpu.pipeline_mode<synchronous>, transform_indices = @transform_7, window_bounds = array<i64: 1, 65536>}, {transform_indices = @transform_8, window_bounds = array<i64: 1024, 512>}, {transform_indices = @transform_9, window_bounds = array<i64: 1024, 512>}, {pipeline_mode = #tpu.pipeline_mode<synchronous>, transform_indices = @transform_10, window_bounds = array<i64: 8, 65536>}, {pipeline_mode = #tpu.pipeline_mode<synchronous>, transform_indices = @transform_11, window_bounds = array<i64: 1, 512>}, {pipeline_mode = #tpu.pipeline_mode<synchronous>, transform_indices = @transform_12, window_bounds = array<i64: 1, 512>}, {pipeline_mode = #tpu.pipeline_mode<synchronous>, transform_indices = @transform_13, window_bounds = array<i64: 1, 1>}, {pipeline_mode = #tpu.pipeline_mode<synchronous>, transform_indices = @transform_14, window_bounds = array<i64: 1, 65536>}, {pipeline_mode = #tpu.pipeline_mode<synchronous>, transform_indices = @transform_15, window_bounds = array<i64: 1, 1>}, {pipeline_mode = #tpu.pipeline_mode<synchronous>, transform_indices = @transform_16, window_bounds = array<i64: 1, 1>}, {pipeline_mode = #tpu.pipeline_mode<synchronous>, transform_indices = @transform_17, window_bounds = array<i64: 1, 65536>}]} {
    %eq3A = arith.constant 0 : i32
    %eq3A_0 = arith.cmpi eq, %arg0, %eq3A : i32
    %convert_element_type3A = arith.extui %eq3A_0 : i1 to i32
    %cond3A = arith.constant 0 : i32
    %cond3A_1 = arith.cmpi ne, %convert_element_type3A, %cond3A : i32
    scf.if %cond3A_1 {
      %get3A_19 = arith.constant 0 : index
      %get3A_20 = arith.constant 0 : index
      %get3A_21 = vector.load %arg1[%get3A_19, %get3A_20] : memref<8x512xf32, #tpu.memory_space<vmem>>, vector<8x512xf32>
      %get3A_22 = arith.constant 0 : index
      %get3A_23 = arith.constant 0 : index
      %get3A_24 = vector.load %arg2[%get3A_22, %get3A_23] : memref<512x512xf32, #tpu.memory_space<vmem>>, vector<512x512xf32>
      %transpose3A_25 = tpu.transpose %get3A_24, [1, 0] : vector<512x512xf32> -> vector<512x512xf32>
      %dot_general3A_26 = arith.constant dense<0.000000e+00> : vector<8x512xf32>
      %dot_general3A_27 = tpu.matmul %get3A_21, %transpose3A_25, %dot_general3A_26 {dimension_numbers = #tpu.dot_dimension_numbers<[1], [0], [0], [1], [0, 0, 1, 1], [], []>, transpose_lhs_hint = false} : vector<8x512xf32>, vector<512x512xf32>, vector<8x512xf32> -> vector<8x512xf32>
      %get3A_28 = arith.constant 0 : index
      %get3A_29 = arith.constant 0 : index
      %get3A_30 = vector.load %arg3[%get3A_28, %get3A_29] : memref<1x512xf32, #tpu.memory_space<vmem>>, vector<1x512xf32>
      %add3A = vector.broadcast %get3A_30 : vector<1x512xf32> to vector<8x512xf32>
      %add3A_31 = arith.addf %dot_general3A_27, %add3A : vector<8x512xf32>
      %mul3A_32 = arith.constant 0.0441941731 : f32
      %mul3A_33 = vector.broadcast %mul3A_32 : f32 to vector<8x512xf32>
      %mul3A_34 = arith.mulf %add3A_31, %mul3A_33 : vector<8x512xf32>
      %swap3A_35 = arith.constant 0 : index
      %swap3A_36 = arith.constant 0 : index
      %swap3A_37 = vector.load %arg19[%swap3A_35, %swap3A_36] : memref<8x512xf32, #tpu.memory_space<vmem>>, vector<8x512xf32>
      tpu.vector_store %arg19[%swap3A_35, %swap3A_36], %mul3A_34 {strides = array<i32>} : memref<8x512xf32, #tpu.memory_space<vmem>>, vector<8x512xf32>,
      %slice3A = vector.extract_strided_slice %get3A_21 {offsets = [0, 0], sizes = [1, 512], strides = [1, 1]} : vector<8x512xf32> to vector<1x512xf32>
      %get3A_38 = arith.constant 0 : index
      %get3A_39 = arith.constant 0 : index
      %get3A_40 = vector.load %arg4[%get3A_38, %get3A_39] : memref<512x512xf32, #tpu.memory_space<vmem>>, vector<512x512xf32>
      %transpose3A_41 = tpu.transpose %get3A_40, [1, 0] : vector<512x512xf32> -> vector<512x512xf32>
      %dot_general3A_42 = arith.constant dense<0.000000e+00> : vector<1x512xf32>
      %dot_general3A_43 = tpu.matmul %slice3A, %transpose3A_41, %dot_general3A_42 {dimension_numbers = #tpu.dot_dimension_numbers<[1], [0], [0], [1], [0, 0, 1, 1], [], []>, transpose_lhs_hint = false} : vector<1x512xf32>, vector<512x512xf32>, vector<1x512xf32> -> vector<1x512xf32>
      %get3A_44 = arith.constant 0 : index
      %get3A_45 = arith.constant 0 : index
      %get3A_46 = vector.load %arg5[%get3A_44, %get3A_45] : memref<1x512xf32, #tpu.memory_space<vmem>>, vector<1x512xf32>
      %add3A_47 = arith.addf %dot_general3A_43, %get3A_46 : vector<1x512xf32>
      %swap3A_48 = arith.constant 0 : index
      %swap3A_49 = arith.constant 0 : index
      %swap3A_50 = vector.load %arg12[%swap3A_48, %swap3A_49] : memref<1x512xf32, #tpu.memory_space<vmem>>, vector<1x512xf32>
      tpu.vector_store %arg12[%swap3A_48, %swap3A_49], %add3A_47 {strides = array<i32>} : memref<1x512xf32, #tpu.memory_space<vmem>>, vector<1x512xf32>,
      %slice3A_51 = vector.extract_strided_slice %get3A_21 {offsets = [0, 0], sizes = [1, 512], strides = [1, 1]} : vector<8x512xf32> to vector<1x512xf32>
      %get3A_52 = arith.constant 0 : index
      %get3A_53 = arith.constant 0 : index
      %get3A_54 = vector.load %arg6[%get3A_52, %get3A_53] : memref<512x512xf32, #tpu.memory_space<vmem>>, vector<512x512xf32>
      %transpose3A_55 = tpu.transpose %get3A_54, [1, 0] : vector<512x512xf32> -> vector<512x512xf32>
      %dot_general3A_56 = arith.constant dense<0.000000e+00> : vector<1x512xf32>
      %dot_general3A_57 = tpu.matmul %slice3A_51, %transpose3A_55, %dot_general3A_56 {dimension_numbers = #tpu.dot_dimension_numbers<[1], [0], [0], [1], [0, 0, 1, 1], [], []>, transpose_lhs_hint = false} : vector<1x512xf32>, vector<512x512xf32>, vector<1x512xf32> -> vector<1x512xf32>
      %get3A_58 = arith.constant 0 : index
      %get3A_59 = arith.constant 0 : index
      %get3A_60 = vector.load %arg7[%get3A_58, %get3A_59] : memref<1x512xf32, #tpu.memory_space<vmem>>, vector<1x512xf32>
      %add3A_61 = arith.addf %dot_general3A_57, %get3A_60 : vector<1x512xf32>
      %swap3A_62 = arith.constant 0 : index
      %swap3A_63 = arith.constant 0 : index
      %swap3A_64 = vector.load %arg13[%swap3A_62, %swap3A_63] : memref<1x512xf32, #tpu.memory_space<vmem>>, vector<1x512xf32>
      tpu.vector_store %arg13[%swap3A_62, %swap3A_63], %add3A_61 {strides = array<i32>} : memref<1x512xf32, #tpu.memory_space<vmem>>, vector<1x512xf32>,
    } else {
    }
    %get3A = arith.constant 0 : index
    %get3A_2 = arith.constant 0 : index
    %get3A_3 = vector.load %arg9[%get3A, %get3A_2] : memref<1024x512xf32, #tpu.memory_space<vmem>>, vector<1024x512xf32>
    %swap3A = arith.constant 0 : index
    %swap3A_4 = arith.constant 0 : index
    %swap3A_5 = vector.load %arg10[%swap3A, %swap3A_4] : memref<1024x512xf32, #tpu.memory_space<vmem>>, vector<1024x512xf32>
    tpu.vector_store %arg10[%swap3A, %swap3A_4], %get3A_3 {strides = array<i32>} : memref<1024x512xf32, #tpu.memory_space<vmem>>, vector<1024x512xf32>,
    %get3A_6 = arith.constant 0 : index
    %get3A_7 = arith.constant 0 : index
    %get3A_8 = vector.load %arg19[%get3A_6, %get3A_7] : memref<8x512xf32, #tpu.memory_space<vmem>>, vector<8x512xf32>
    %transpose3A = tpu.transpose %get3A_3, [1, 0] : vector<1024x512xf32> -> vector<512x1024xf32>
    %dot_general3A = arith.constant dense<0.000000e+00> : vector<8x1024xf32>
    %dot_general3A_9 = tpu.matmul %get3A_8, %transpose3A, %dot_general3A {dimension_numbers = #tpu.dot_dimension_numbers<[1], [0], [0], [1], [0, 0, 1, 1], [], []>, transpose_lhs_hint = false} : vector<8x512xf32>, vector<512x1024xf32>, vector<8x1024xf32> -> vector<8x1024xf32>
    %mul3A = arith.constant 1024 : i32
    %mul3A_10 = arith.muli %arg0, %mul3A : i32
    %swap3A_11 = arith.constant 0 : index
    %swap3A_12 = arith.index_cast %mul3A_10 : i32 to index
    %swap3A_13 = vector.load %arg20[%swap3A_11, %swap3A_12] : memref<8x65536xf32, #tpu.memory_space<vmem>>, vector<8x1024xf32>
    tpu.vector_store %arg20[%swap3A_11, %swap3A_12], %dot_general3A_9 {strides = array<i32>} : memref<8x65536xf32, #tpu.memory_space<vmem>>, vector<8x1024xf32>,
    %eq3A_14 = arith.constant 63 : i32
    %eq3A_15 = arith.cmpi eq, %arg0, %eq3A_14 : i32
    %convert_element_type3A_16 = arith.extui %eq3A_15 : i1 to i32
    %cond3A_17 = arith.constant 0 : i32
    %cond3A_18 = arith.cmpi ne, %convert_element_type3A_16, %cond3A_17 : i32
    scf.if %cond3A_18 {
      %get3A_19 = arith.constant 0 : index
      %get3A_20 = arith.constant 0 : index
      %get3A_21 = vector.load %arg20[%get3A_19, %get3A_20] : memref<8x65536xf32, #tpu.memory_space<vmem>>, vector<8x65536xf32>
      %reduce_max3A = arith.constant dense<0xFF800000> : vector<8xf32>
      %reduce_max3A_22 = vector.multi_reduction <maximumf>, %get3A_21, %reduce_max3A [1] : vector<8x65536xf32> to vector<8xf32>
      %broadcast_in_dim3A = vector.shape_cast %reduce_max3A_22 : vector<8xf32> to vector<8x1xf32>
      %sub3A = vector.broadcast %broadcast_in_dim3A : vector<8x1xf32> to vector<8x65536xf32>
      %sub3A_23 = arith.subf %get3A_21, %sub3A : vector<8x65536xf32>
      %exp3A = math.exp %sub3A_23 : vector<8x65536xf32>
      %reduce_sum3A = arith.constant dense<0.000000e+00> : vector<8xf32>
      %reduce_sum3A_24 = vector.multi_reduction <add>, %exp3A, %reduce_sum3A [1] : vector<8x65536xf32> to vector<8xf32>
      %broadcast_in_dim3A_25 = vector.shape_cast %reduce_sum3A_24 : vector<8xf32> to vector<8x1xf32>
      %div3A = vector.broadcast %broadcast_in_dim3A_25 : vector<8x1xf32> to vector<8x65536xf32>
      %div3A_26 = arith.divf %exp3A, %div3A : vector<8x65536xf32>
      %swap3A_27 = arith.constant 0 : index
      %swap3A_28 = arith.constant 0 : index
      %swap3A_29 = vector.load %arg11[%swap3A_27, %swap3A_28] : memref<8x65536xf32, #tpu.memory_space<vmem>>, vector<8x65536xf32>
      tpu.vector_store %arg11[%swap3A_27, %swap3A_28], %div3A_26 {strides = array<i32>} : memref<8x65536xf32, #tpu.memory_space<vmem>>, vector<8x65536xf32>,
      %reduce_sum3A_30 = arith.constant dense<0.000000e+00> : vector<65536xf32>
      %reduce_sum3A_31 = vector.multi_reduction <add>, %div3A_26, %reduce_sum3A_30 [0] : vector<8x65536xf32> to vector<65536xf32>
      %broadcast_in_dim3A_32 = vector.shape_cast %reduce_sum3A_31 : vector<65536xf32> to vector<1x65536xf32>
      %get3A_33 = arith.constant 0 : index
      %get3A_34 = arith.constant 0 : index
      %get3A_35 = vector.load %arg8[%get3A_33, %get3A_34] : memref<1x65536xf32, #tpu.memory_space<vmem>>, vector<1x65536xf32>
      %add3A = arith.constant 1.000000e+00 : f32
      %add3A_36 = vector.broadcast %add3A : f32 to vector<1x65536xf32>
      %add3A_37 = arith.addf %get3A_35, %add3A_36 : vector<1x65536xf32>
      %sub3A_38 = arith.constant 1.000000e+00 : f32
      %sub3A_39 = vector.broadcast %sub3A_38 : f32 to vector<1x65536xf32>
      %sub3A_40 = arith.subf %sub3A_39, %broadcast_in_dim3A_32 : vector<1x65536xf32>
      %add3A_41 = arith.addf %add3A_37, %sub3A_40 : vector<1x65536xf32>
      %reduce_max3A_42 = vector.shape_cast %add3A_41 : vector<1x65536xf32> to vector<1x1x65536xf32>
      %reduce_max3A_43 = arith.constant dense<0xFF800000> : vector<1xf32>
      %reduce_max3A_44 = vector.multi_reduction <maximumf>, %reduce_max3A_42, %reduce_max3A_43 [1, 2] : vector<1x1x65536xf32> to vector<1xf32>
      %reduce_max3A_45 = vector.shape_cast %reduce_max3A_44 : vector<1xf32> to vector<1x1x1xf32>
      %reduce_max3A_46 = vector.extract %reduce_max3A_45[0, 0, 0] : f32 from vector<1x1x1xf32>
      %iota3A = tpu.iota {dimensions = array<i32: 1>} : vector<1x65536xi32>
      %eq3A_47 = vector.broadcast %reduce_max3A_46 : f32 to vector<1x65536xf32>
      %eq3A_48 = arith.cmpf oeq, %add3A_41, %eq3A_47 : vector<1x65536xf32>
      %jit3A = arith.constant 65536 : i32
      %broadcast_in_dim3A_49 = vector.broadcast %jit3A : i32 to vector<1x65536xi32>
      %select_n3A = arith.select %eq3A_48, %iota3A, %broadcast_in_dim3A_49 : vector<1x65536xi1>, vector<1x65536xi32>
      %reduce_min3A = vector.shape_cast %select_n3A : vector<1x65536xi32> to vector<1x1x65536xi32>
      %reduce_min3A_50 = arith.constant dense<2147483647> : vector<1xi32>
      %reduce_min3A_51 = vector.multi_reduction <minsi>, %reduce_min3A, %reduce_min3A_50 [1, 2] : vector<1x1x65536xi32> to vector<1xi32>
      %reduce_min3A_52 = vector.shape_cast %reduce_min3A_51 : vector<1xi32> to vector<1x1x1xi32>
      %reduce_min3A_53 = vector.extract %reduce_min3A_52[0, 0, 0] : i32 from vector<1x1x1xi32>
      %broadcast_in_dim3A_54 = vector.broadcast %reduce_min3A_53 : i32 to vector<1x1xi32>
      %swap3A_55 = arith.constant 0 : index
      %swap3A_56 = arith.constant 0 : index
      %swap3A_57 = vector.load %arg14[%swap3A_55, %swap3A_56] : memref<1x1xi32, #tpu.memory_space<vmem>>, vector<1x1xi32>
      tpu.vector_store %arg14[%swap3A_55, %swap3A_56], %broadcast_in_dim3A_54 {strides = array<i32>} : memref<1x1xi32, #tpu.memory_space<vmem>>, vector<1x1xi32>,
      %gt3A = arith.constant 0.00999999977 : f32
      %gt3A_58 = vector.broadcast %gt3A : f32 to vector<8x65536xf32>
      %gt3A_59 = arith.cmpf ogt, %div3A_26, %gt3A_58 : vector<8x65536xf32>
      %convert_element_type3A_60 = arith.extui %gt3A_59 : vector<8x65536xi1> to vector<8x65536xi32>
      %reduce_sum3A_61 = arith.constant dense<0> : vector<65536xi32>
      %reduce_sum3A_62 = vector.multi_reduction <add>, %convert_element_type3A_60, %reduce_sum3A_61 [0] : vector<8x65536xi32> to vector<65536xi32>
      %broadcast_in_dim3A_63 = vector.shape_cast %reduce_sum3A_62 : vector<65536xi32> to vector<1x65536xi32>
      %swap3A_64 = arith.constant 0 : index
      %swap3A_65 = arith.constant 0 : index
      %swap3A_66 = vector.load %arg15[%swap3A_64, %swap3A_65] : memref<1x65536xi32, #tpu.memory_space<vmem>>, vector<1x65536xi32>
      tpu.vector_store %arg15[%swap3A_64, %swap3A_65], %broadcast_in_dim3A_63 {strides = array<i32>} : memref<1x65536xi32, #tpu.memory_space<vmem>>, vector<1x65536xi32>,
      %reduce_sum3A_67 = vector.shape_cast %broadcast_in_dim3A : vector<8x1xf32> to vector<1x8x1xf32>
      %reduce_sum3A_68 = arith.constant dense<0.000000e+00> : vector<1xf32>
      %reduce_sum3A_69 = vector.multi_reduction <add>, %reduce_sum3A_67, %reduce_sum3A_68 [1, 2] : vector<1x8x1xf32> to vector<1xf32>
      %reduce_sum3A_70 = vector.shape_cast %reduce_sum3A_69 : vector<1xf32> to vector<1x1x1xf32>
      %reduce_sum3A_71 = vector.extract %reduce_sum3A_70[0, 0, 0] : f32 from vector<1x1x1xf32>
      %div3A_72 = arith.constant 8.000000e+00 : f32
      %div3A_73 = arith.divf %reduce_sum3A_71, %div3A_72 : f32
      %broadcast_in_dim3A_74 = vector.broadcast %div3A_73 : f32 to vector<1x1xf32>
      %swap3A_75 = arith.constant 0 : index
      %swap3A_76 = arith.constant 0 : index
      %swap3A_77 = vector.load %arg16[%swap3A_75, %swap3A_76] : memref<1x1xf32, #tpu.memory_space<vmem>>, vector<1x1xf32>
      tpu.vector_store %arg16[%swap3A_75, %swap3A_76], %broadcast_in_dim3A_74 {strides = array<i32>} : memref<1x1xf32, #tpu.memory_space<vmem>>, vector<1x1xf32>,
      %eq3A_78 = vector.broadcast %reduce_min3A_53 : i32 to vector<1x65536xi32>
      %eq3A_79 = arith.cmpi eq, %iota3A, %eq3A_78 : vector<1x65536xi32>
      %jit3A_80 = arith.constant 0.000000e+00 : f32
      %broadcast_in_dim3A_81 = vector.broadcast %jit3A_80 : f32 to vector<1x65536xf32>
      %select_n3A_82 = arith.select %eq3A_79, %broadcast_in_dim3A_81, %add3A_37 : vector<1x65536xi1>, vector<1x65536xf32>
      %swap3A_83 = arith.constant 0 : index
      %swap3A_84 = arith.constant 0 : index
      %swap3A_85 = vector.load %arg18[%swap3A_83, %swap3A_84] : memref<1x65536xf32, #tpu.memory_space<vmem>>, vector<1x65536xf32>
      tpu.vector_store %arg18[%swap3A_83, %swap3A_84], %select_n3A_82 {strides = array<i32>} : memref<1x65536xf32, #tpu.memory_space<vmem>>, vector<1x65536xf32>,
      %gt3A_86 = arith.constant 0.000000e+00 : f32
      %gt3A_87 = vector.broadcast %gt3A_86 : f32 to vector<1x65536xf32>
      %gt3A_88 = arith.cmpf ogt, %select_n3A_82, %gt3A_87 : vector<1x65536xf32>
      %convert_element_type3A_89 = arith.extui %gt3A_88 : vector<1x65536xi1> to vector<1x65536xi32>
      %convert_element_type3A_90 = arith.sitofp %convert_element_type3A_89 : vector<1x65536xi32> to vector<1x65536xf32>
      %reduce_sum3A_91 = vector.shape_cast %convert_element_type3A_90 : vector<1x65536xf32> to vector<1x1x65536xf32>
      %reduce_sum3A_92 = arith.constant dense<0.000000e+00> : vector<1xf32>
      %reduce_sum3A_93 = vector.multi_reduction <add>, %reduce_sum3A_91, %reduce_sum3A_92 [1, 2] : vector<1x1x65536xf32> to vector<1xf32>
      %reduce_sum3A_94 = vector.shape_cast %reduce_sum3A_93 : vector<1xf32> to vector<1x1x1xf32>
      %reduce_sum3A_95 = vector.extract %reduce_sum3A_94[0, 0, 0] : f32 from vector<1x1x1xf32>
      %div3A_96 = arith.constant 6.553600e+04 : f32
      %div3A_97 = arith.divf %reduce_sum3A_95, %div3A_96 : f32
      %broadcast_in_dim3A_98 = vector.broadcast %div3A_97 : f32 to vector<1x1xf32>
      %swap3A_99 = arith.constant 0 : index
      %swap3A_100 = arith.constant 0 : index
      %swap3A_101 = vector.load %arg17[%swap3A_99, %swap3A_100] : memref<1x1xf32, #tpu.memory_space<vmem>>, vector<1x1xf32>
      tpu.vector_store %arg17[%swap3A_99, %swap3A_100], %broadcast_in_dim3A_98 {strides = array<i32>} : memref<1x1xf32, #tpu.memory_space<vmem>>, vector<1x1xf32>,
    } else {
    }
    return
  }
  func.func @transform_0(%arg0: i32) -> (i32, i32) {
    %c0_i32 = arith.constant 0 : i32
    %c0_i32_0 = arith.constant 0 : i32
    %c0_i32_1 = arith.constant 0 : i32
    return %c0_i32, %c0_i32_0 : i32, i32
  }
  func.func @transform_1(%arg0: i32) -> (i32, i32) {
    %c0_i32 = arith.constant 0 : i32
    %c0_i32_0 = arith.constant 0 : i32
    %c0_i32_1 = arith.constant 0 : i32
    return %c0_i32, %c0_i32_0 : i32, i32
  }
  func.func @transform_2(%arg0: i32) -> (i32, i32) {
    %c0_i32 = arith.constant 0 : i32
    %c0_i32_0 = arith.constant 0 : i32
    %c0_i32_1 = arith.constant 0 : i32
    return %c0_i32, %c0_i32_0 : i32, i32
  }
  func.func @transform_3(%arg0: i32) -> (i32, i32) {
    %c0_i32 = arith.constant 0 : i32
    %c0_i32_0 = arith.constant 0 : i32
    %c0_i32_1 = arith.constant 0 : i32
    return %c0_i32, %c0_i32_0 : i32, i32
  }
  func.func @transform_4(%arg0: i32) -> (i32, i32) {
    %c0_i32 = arith.constant 0 : i32
    %c0_i32_0 = arith.constant 0 : i32
    %c0_i32_1 = arith.constant 0 : i32
    return %c0_i32, %c0_i32_0 : i32, i32
  }
  func.func @transform_5(%arg0: i32) -> (i32, i32) {
    %c0_i32 = arith.constant 0 : i32
    %c0_i32_0 = arith.constant 0 : i32
    %c0_i32_1 = arith.constant 0 : i32
    return %c0_i32, %c0_i32_0 : i32, i32
  }
  func.func @transform_6(%arg0: i32) -> (i32, i32) {
    %c0_i32 = arith.constant 0 : i32
    %c0_i32_0 = arith.constant 0 : i32
    %c0_i32_1 = arith.constant 0 : i32
    return %c0_i32, %c0_i32_0 : i32, i32
  }
  func.func @transform_7(%arg0: i32) -> (i32, i32) {
    %c0_i32 = arith.constant 0 : i32
    %c0_i32_0 = arith.constant 0 : i32
    %c0_i32_1 = arith.constant 0 : i32
    return %c0_i32, %c0_i32_0 : i32, i32
  }
  func.func @transform_8(%arg0: i32) -> (i32, i32) {
    %c0_i32 = arith.constant 0 : i32
    %c0_i32_0 = arith.constant 0 : i32
    return %arg0, %c0_i32 : i32, i32
  }
  func.func @transform_9(%arg0: i32) -> (i32, i32) {
    %c0_i32 = arith.constant 0 : i32
    %c0_i32_0 = arith.constant 0 : i32
    return %arg0, %c0_i32 : i32, i32
  }
  func.func @transform_10(%arg0: i32) -> (i32, i32) {
    %c0_i32 = arith.constant 0 : i32
    %c0_i32_0 = arith.constant 0 : i32
    %c0_i32_1 = arith.constant 0 : i32
    return %c0_i32, %c0_i32_0 : i32, i32
  }
  func.func @transform_11(%arg0: i32) -> (i32, i32) {
    %c0_i32 = arith.constant 0 : i32
    %c0_i32_0 = arith.constant 0 : i32
    %c0_i32_1 = arith.constant 0 : i32
    return %c0_i32, %c0_i32_0 : i32, i32
  }
  func.func @transform_12(%arg0: i32) -> (i32, i32) {
    %c0_i32 = arith.constant 0 : i32
    %c0_i32_0 = arith.constant 0 : i32
    %c0_i32_1 = arith.constant 0 : i32
    return %c0_i32, %c0_i32_0 : i32, i32
  }
  func.func @transform_13(%arg0: i32) -> (i32, i32) {
    %c0_i32 = arith.constant 0 : i32
    %c0_i32_0 = arith.constant 0 : i32
    %c0_i32_1 = arith.constant 0 : i32
    return %c0_i32, %c0_i32_0 : i32, i32
  }
  func.func @transform_14(%arg0: i32) -> (i32, i32) {
    %c0_i32 = arith.constant 0 : i32
    %c0_i32_0 = arith.constant 0 : i32
    %c0_i32_1 = arith.constant 0 : i32
    return %c0_i32, %c0_i32_0 : i32, i32
  }
  func.func @transform_15(%arg0: i32) -> (i32, i32) {
    %c0_i32 = arith.constant 0 : i32
    %c0_i32_0 = arith.constant 0 : i32
    %c0_i32_1 = arith.constant 0 : i32
    return %c0_i32, %c0_i32_0 : i32, i32
  }
  func.func @transform_16(%arg0: i32) -> (i32, i32) {
    %c0_i32 = arith.constant 0 : i32
    %c0_i32_0 = arith.constant 0 : i32
    %c0_i32_1 = arith.constant 0 : i32
    return %c0_i32, %c0_i32_0 : i32, i32
  }
  func.func @transform_17(%arg0: i32) -> (i32, i32) {
    %c0_i32 = arith.constant 0 : i32
    %c0_i32_0 = arith.constant 0 : i32
    %c0_i32_1 = arith.constant 0 : i32
    return %c0_i32, %c0_i32_0 : i32, i32
  }
}

</mosaic_0001>

<sc_bundles>
// kernel: sparse-core-data-format-call.cloned.1.call-start
scs
called_computation_lowered:
.L_overlay_start_0:
0x0: {  	s2 =	sld [smem:$0x3FD9]  }
0x1: {  	s3 =	sld [smem:$0x3FFE];
	_ =	sdelay $0x1  }
0x2: {  	s1 =	srdreg.scid  }
0x3: {  	s0 =	sand.u32 $0x1, s1  }
0x4: {  	s15 =	sshll.u32 s0, $0xA;
	s2 =	sadd.s32 s3, s2  }
0x5: {  	s2 =	sadd.s32 s2, s15  }
0x6: {  	[smem:$0x3FBC] =	sst s2  }
0x7: {  	_ = 	snop  }
0x8: {  	s2 =	sld [smem:$0x3FD0];
	_ =	sdelay $0x2  }
0x9: {  	s16 =	simm.s32 $0xA;
	s4 =	simm.s32 $0x10  }
0xa: {  	[smem:s4], [sflag:s16] =	dma.local [hbm:s2], $0x1  }
0xb: {  	_ =	swait.eq [sflag:s16], $0x1  }
0xc: {  	[sflag:s16] =	ssyncset.done $0x0  }
0xd: {  	[sflag:s16] =	ssyncadd.s32 $0xFFFFFFFF  }
0xe: {  	s17 =	sld [smem:$0x14];
	(tm) =	ssettm $0x1  }
0xf: {  	s18 =	sld [smem:$0x3FFB];
	_ =	sdelay $0x3  }
0x10: {  	_ =	strace s18  }
0x11: {  	s3 =	sld [smem:$0x3FFC];
	_ =	sdelay $0x3  }
0x12: {  	_ =	strace s3  }
0x13: {  	s3 =	sld [smem:$0x3FFD];
	_ =	sdelay $0x3  }
0x14: {  	_ =	strace s3  }
0x15: {  	_ =	strace $0x8FFFFFFF  }
0x16: {  	s19 =	sld [smem:$0x3FDB];
	_ =	sdelay $0x1  }
0x17: {  	s20 =	simm.s32 $_scs_section_size  }
0x18: {  	s5 =	simm.s32 $_size__tile_overlayer_lowered;
	s6 =	simm.s32 $_tile_overlayer_lowered  }
0x19: {  	s23 =	simm.s32 $0x1BFF;
	s22 =	sshll.u32 s6, $0x1;
	s3 =	sadd.s32 s20, s19  }
0x1a: {  	s7 =	simm.s32 $0x0;
	s21 =	sshll.u32 s5, $0x1;
	s5 =	sadd.s32 s22, s3  }
0x1b: {  	[timem:s7], [sflag:s23] =	dma.local [hbm:s5], s21  }
0x1c: {  	_ =	swait.ge [sflag:s23], s21  }
0x1d: {  	s4 =	ssub.s32 $0x0, s21;
	[sflag:s23] =	ssyncset.done $0x0  }
0x1e: {  	[sflag:s23] =	ssyncadd.s32 s4;
	_ =	sdelay $0x1  }
0x1f: {  	s24 =	simm.s32 $0x1B8B  }
0x20: {  	_ =	swait.ge [sflag:s24], $0x1  }
0x21: {  	[sflag:s24] =	ssyncset.done $0x0  }
0x22: {  	s26 =	simm.s32 $0x1B8E;
	s25 =	sld [smem:$0x3FFE];
	[sflag:s24] =	ssyncadd.s32 $0xFFFFFFFF  }
0x23: {  	s27 =	simm.s32 $execute0_lowered;
	[smem:$0x3FD2] =	sst s26  }
0x24: {  	s5 =	sshll.u32 s27, $0x1;
	_ =	strace $0x80000046;
	[dreg:$0x1] =	wrdreg $0xFFFFFFFF  }
0x25: {  	s28 =	simm.s32 $_size_execute0_lowered;
	s3 =	sadd.s32 s3, s5;
	[dreg:$0x0] =	wrdreg $0x0  }
0x26: {  	s5 =	sshll.u32 s28, $0x1;
	[dreg:$0x2] =	wrdreg s3  }
0x27: {  	[dreg:$0x3] =	wrdreg s5  }
0x28: {  	[dreg:$0x4] =	wrdreg $0xC0  }
0x29: {  	_ =	task [dreg:s7], $0x5FFFF  }
0x2a: {  	[dreg:$0x1] =	wrdreg $0xFFFFFFFF  }
0x2b: {  	[dreg:$0x0] =	wrdreg $0x60  }
0x2c: {  	[dreg:$0x2] =	wrdreg s25  }
0x2d: {  	[dreg:$0x3] =	wrdreg s17  }
0x2e: {  	[dreg:$0x4] =	wrdreg $0x9  }
0x2f: {  	_ =	task.clear_ibuf [dreg:s7], $0x5FFFF;
	_ =	strace $0x90000046  }
0x30: {  	s29 =	simm.s32 $0x9;
	_ =	strace $0x80000048  }
0x31: {  	_ =	swait.ge [sflag:s29], $0x1  }
0x32: {  	[sflag:s29] =	ssyncadd.s32 $0xFFFFFFFF  }
0x33: {  	_ =	strace $0x90000048  }
0x34: {  	_ =	sfence  }
0x35: {  	s30 =	sld [smem:$0x0];
	_ =	sdelay $0x2  }
0x36: {  	s31 =	sshll.u32 s1, $0xD;
	s1 =	sshrl.u32 s1, $0x2  }
0x37: {  	s3 =	sand.u32 $0x4000, s31;
	s1 =	sadd.s32 s1, s30  }
0x38: {  	s0 =	sor.u32 s3, s0;
	s1 =	sshll.u32 s1, $0x11  }
0x39: {  	s0 =	sor.u32 s1, s0  }
0x3a: {  	s0 =	sadd.s32 $0x8F2B, s0  }
0x3b: {  	[sflag:s0] =	ssyncadd.remote.s32 $0x1  }
0x3c: {  	_ =	sfence.sel $0xFFFF  }
0x3d: {  	[dreg:$0x0] =	wrdreg $0xFFFFFFFF;
	(pc) =	sbr.abs _section_cstart, $3  }
0x3e: {  	[dreg:$0x1] =	wrdreg $0xFFFFFFFF  }
0x3f: {  	_ =	task.clear_ibuf [dreg:s7], $0x2FFFF;
	_ =	strace $0x9FFFFFFF  }
0x40: {  	(tm) =	ssettm $0x7FFFFFFF  }
0x41: {  	_ =	shalt  }
tec
execute0_lowered:
.L_overlay_start_1:
0x0: {  	(tag) =	ssettag $0x1  }
0x1: {  	s0 =	srdreg.scid  }
0x2: {  	s1 =	sshll.u32 s0, $0x4  }
0x3: {  	s4 =	rddreg [dreg:$0x0];
	s0 =	stileid.u32;
	s1 =	sand.u32 $0x10, s1  }
0x4: {  	s2 =	rddreg [dreg:$0x1];
	s7 =	simm.s32 $0x1;
	s1 =	sor.u32 s0, s1  }
0x5: {  	s8 =	simm.s32 $0x2;
	s9 =	simm.s32 $0x0;
	s3 =	sshll.u32 s1, $0x5  }
0x6: {  	s12 =	simm.s32 $0x0;
	s11 =	simm.s32 $0x0;
	s6 =	ssub.s32 $0x10000, s3  }
.Ltmp0:
0x7: {  	s4 =	sadd.s32 $0x2400, s4;
	s5 =	sand.u32 $0x3E0, s6;
	(pc) =	sbr.rel .LBB1_1-.Ltmp0, $4  }
0x8: {  	s1 =	rddreg [dreg:$0x2];
	_ =	strace $0x80000047;
	p0 =	sne.s32 s5, $0x0  }
0x9: {  	s6 =	sshrl.u32 s6, $0xA;
	s5 =	simm.s32 $0x1;
	s7 =	simm.s32 @!p0 $0x0  }
0xa: {  	s10 =	smov.u32 s3;
	[sflag:s5] =	ssyncpa.u1 $0x0;
	s6 =	sadd.s32 s7, s6  }
0xb: {  	[sflag:s8] =	ssyncpa.u1 $0x0;
	s8 =	simm.s32 $0x0;
	s7 =	sadd.s32 $0x1, s6  }
.LBB1_4:
0xc: {  	_ =	sdelay $0x3  }
0xd: {  	[tilespmem:v0+s14+$0xC20 ss:$0x1] =	vst.idx.msk $0xffff, v4  }
0xe: {  	[tilespmem:v0+s14+$0xC30 ss:$0x1] =	vst.idx.msk $0xffff, v7  }
0xf: {  	[tilespmem:v0+s14+$0xC40 ss:$0x1] =	vst.idx.msk $0xffff, v3;
	v41 =	vld [tilespmem:s15+$0xFFFFFF90]  }
0x10: {  	s18 =	sadd.s32 $0x80, s16;
	[tilespmem:s17+$0x0] =	vst v5;
	v42 =	vld [tilespmem:s15+$0xFFFFFFA0]  }
0x11: {  	s27 =	sand.u32 $0x3000, s19;
	[tilespmem:v0+s14+$0xC50 ss:$0x1] =	vst.idx.msk $0xffff, v2;
	v43 =	vld [tilespmem:s15+$0xFFFFFFB0];
	s28 =	sand.u32 $0x380, s18  }
0x12: {  	[tilespmem:v0+s14+$0xC60 ss:$0x1] =	vst.idx.msk $0xffff, v1;
	v44 =	vld [tilespmem:s15+$0xFFFFFFC0];
	s16 =	sor.u32 s28, s27  }
0x13: {  	v45 =	vld [tilespmem:s15+$0xFFFFFFD0];
	[tilespmem:v0+s16+$0xC70 ss:$0x1] =	vst.idx.msk $0xffff, v6  }
0x14: {  	v46 =	vld [tilespmem:s15+$0xFFFFFFE0];
	[tilespmem:v0+s16+$0x410 ss:$0x1] =	vst.idx.msk $0xffff, v41  }
0x15: {  	v47 =	vld [tilespmem:s15+$0xFFFFFFF0];
	[tilespmem:v0+s16+$0x420 ss:$0x1] =	vst.idx.msk $0xffff, v42  }
0x16: {  	v49 =	vld [tilespmem:s15+$0x10];
	[tilespmem:v0+s16+$0x430 ss:$0x1] =	vst.idx.msk $0xffff, v43  }
0x17: {  	v50 =	vld [tilespmem:s15+$0x20];
	[tilespmem:v0+s16+$0x440 ss:$0x1] =	vst.idx.msk $0xffff, v44  }
0x18: {  	v51 =	vld [tilespmem:s15+$0x30];
	[tilespmem:v0+s16+$0x450 ss:$0x1] =	vst.idx.msk $0xffff, v45  }
0x19: {  	v52 =	vld [tilespmem:s15+$0x40];
	[tilespmem:v0+s16+$0x460 ss:$0x1] =	vst.idx.msk $0xffff, v46  }
0x1a: {  	v53 =	vld [tilespmem:s15+$0x50];
	[tilespmem:v0+s16+$0x470 ss:$0x1] =	vst.idx.msk $0xffff, v47  }
0x1b: {  	v54 =	vld [tilespmem:s15+$0x60];
	[tilespmem:v0+s16+$0x810 ss:$0x1] =	vst.idx.msk $0xffff, v49  }
0x1c: {  	v55 =	vld [tilespmem:s15+$0x70];
	[tilespmem:v0+s16+$0x820 ss:$0x1] =	vst.idx.msk $0xffff, v50  }
0x1d: {  	v57 =	vld [tilespmem:s15+$0x90];
	[tilespmem:v0+s16+$0x830 ss:$0x1] =	vst.idx.msk $0xffff, v51  }
0x1e: {  	v58 =	vld [tilespmem:s15+$0xA0];
	[tilespmem:v0+s16+$0x840 ss:$0x1] =	vst.idx.msk $0xffff, v52  }
0x1f: {  	v59 =	vld [tilespmem:s15+$0xB0];
	[tilespmem:v0+s16+$0x850 ss:$0x1] =	vst.idx.msk $0xffff, v53  }
0x20: {  	v60 =	vld [tilespmem:s15+$0xC0];
	[tilespmem:v0+s16+$0x860 ss:$0x1] =	vst.idx.msk $0xffff, v54  }
0x21: {  	v62 =	vld [tilespmem:s15+$0xD0];
	[tilespmem:v0+s16+$0x870 ss:$0x1] =	vst.idx.msk $0xffff, v55  }
0x22: {  	v63 =	vld [tilespmem:s15+$0xE0];
	[tilespmem:v0+s16+$0xC10 ss:$0x1] =	vst.idx.msk $0xffff, v57  }
0x23: {  	v33 =	vld [tilespmem:s15+$0xFFFFFF10];
	[tilespmem:v0+s16+$0xC20 ss:$0x1] =	vst.idx.msk $0xffff, v58  }
0x24: {  	v34 =	vld [tilespmem:s15+$0xFFFFFF20];
	[tilespmem:v0+s16+$0xC30 ss:$0x1] =	vst.idx.msk $0xffff, v59  }
0x25: {  	v35 =	vld [tilespmem:s15+$0xFFFFFF30];
	s29 =	sand.u32 $0x3200, s16;
	[tilespmem:v0+s16+$0xC40 ss:$0x1] =	vst.idx.msk $0xffff, v60  }
0x26: {  	v36 =	vld [tilespmem:s15+$0xFFFFFF40];
	s18 =	sand.u32 $0x180, s18;
	s17 =	sadd.s32 s29, s13;
	[tilespmem:v0+s16+$0xC50 ss:$0x1] =	vst.idx.msk $0xffff, v62  }
0x27: {  	v37 =	vld [tilespmem:s15+$0xFFFFFF50];
	s17 =	sadd.s32 s18, s17;
	[tilespmem:v0+s16+$0xC60 ss:$0x1] =	vst.idx.msk $0xffff, v63  }
0x28: {  	v38 =	vld [tilespmem:s15+$0xFFFFFF60];
	[tilespmem:s17+$0x10] =	vst v33  }
0x29: {  	v39 =	vld [tilespmem:s15+$0xFFFFFF70];
	[tilespmem:s17+$0x20] =	vst v34  }
0x2a: {  	v40 =	vld [tilespmem:s15+$0xFFFFFF80];
	[tilespmem:s17+$0x30] =	vst v35  }
0x2b: {  	v48 =	vld [tilespmem:s15+$0x0];
	[tilespmem:s17+$0x40] =	vst v36  }
0x2c: {  	v56 =	vld [tilespmem:s15+$0x80];
	[tilespmem:s17+$0x50] =	vst v37  }
0x2d: {  	v61 =	vld [tilespmem:s15+$0xFFFFFF00];
	[tilespmem:s17+$0x60] =	vst v38  }
0x2e: {  	s30 =	sshll.u32 s12, $0x9;
	s31 =	sshll.u32 s12, $0x7;
	[tilespmem:s17+$0x70] =	vst v39  }
0x2f: {  	s14 =	sand.u32 $0x1FFF000, s30;
	s12 =	sand.u32 $0x380, s31;
	[tilespmem:s17+$0x400] =	vst v40  }
0x30: {  	s12 =	sor.u32 s12, s14;
	[tilespmem:s17+$0x800] =	vst v48  }
0x31: {  	s12 =	sshrl.u32 s12, $0x3;
	[tilespmem:s17+$0xC00] =	vst v56  }
0x32: {  	s12 =	sadd.s32 s2, s12;
	[tilespmem:s17+$0x0] =	vst v61  }
0x33: {  	[hbm4b:s12+s8] =	stream.linear.scatter [tilespmem:s13], [sflag:$0x2], $0x4000, $0x38;
	[tilespmem:$0x10000] =	vst v63  }
.LBB1_5:
0x34: {  	s14 =	sadd.s32 $0x400, s10  }
0x35: {  	p1 =	sgt.s32 s14, $0xFFFF  }
0x36: {  	s14 =	smov.u32 @p1 s3;
	p1 =	sne.s32 s11, s7  }
.Ltmp1:
0x37: {  	p0 =	slt.u32 s11, $0x2;
	(pc) =	sbr.rel @!p1 .LBB1_6-.Ltmp1, $4  }
0x38: {  	s13 =	simm.s32 @!p0 $0x2  }
0x39: {  	s15 =	sadd.s32 $0x1, s11;
	_ =	swait.ge @!p0 [sflag:s13], $0x4000  }
0x3a: {  	s12 =	smov.u32 s10;
	s9 =	sadd.s32 $0x4000, s9;
	[sflag:s13] =	ssyncset.done @!p0 $0x0  }
0x3b: {  	s11 =	smov.u32 s15;
	s10 =	smov.u32 s14;
	[sflag:s13] =	ssyncadd.s32 @!p0 $0xFFFFC000  }
.LBB1_1:
0x3c: {  	p0 =	sge.u32 s11, s6  }
0x3d: {  	s13 =	sxor.u32 @!p0 $0xFFFFFFFF, s11  }
0x3e: {  	s31 =	sadd.s32 $0xFFFFFFFF, s11;
	s14 =	sshll.u32 @!p0 s10, $0x6;
	s13 =	sshll.u32 @!p0 s13, $0xE  }
0x3f: {  	s15 =	simm.s32 @!p0 $0x0;
	s14 =	sadd.s32 @!p0 s4, s14;
	s13 =	sand.u32 @!p0 $0x4000, s13  }
0x40: {  	[tilespmem:s13], [sflag:$0x1] =	stream.linear.gather @!p0 [hbm4b:s14+s15], $0x4000, $0x38;
	[tilespmem:$0x10000] =	vst v63  }
0x41: {  	p0 =	sge.u32 s31, s6  }
.Ltmp2:
0x42: {  	_ = 	snop;
	(pc) =	sbr.rel @p0 .LBB1_5-.Ltmp2, $1  }
0x43: {  	_ =	sdelay $0x3  }
0x44: {  	_ =	swait.ge [sflag:s5], $0x4000  }
0x45: {  	s13 =	sand.u32 $0x4000, s9;
	[sflag:s5] =	ssyncset.done $0x0  }
0x46: {  	s31 =	sshll.u32 s11, $0xE;
	s15 =	sor.u32 $0x100, s13;
	[sflag:s5] =	ssyncadd.s32 $0xFFFFC000  }
0x47: {  	s13 =	sand.u32 $0x4000, s31;
	v1 =	vld [tilespmem:s15+$0xF0]  }
0x48: {  	s13 =	sor.u32 $0x8000, s13;
	v2 =	vld [tilespmem:s15+$0xFFFFFF10]  }
0x49: {  	s16 =	simm.s32 $0x0;
	v0 =	vmov s13;
	v3 =	vld [tilespmem:s15+$0xFFFFFF20]  }
0x4a: {  	s14 =	sand.u32 $0x3000, s16;
	s17 =	sand.u32 $0x380, s16;
	v4 =	vld [tilespmem:s15+$0xFFFFFF30]  }
0x4b: {  	s14 =	sor.u32 s17, s14;
	v5 =	vld [tilespmem:s15+$0xFFFFFF40]  }
0x4c: {  	s17 =	sand.u32 $0x3200, s14;
	v6 =	vld [tilespmem:s15+$0xFFFFFF50]  }
0x4d: {  	s18 =	sand.u32 $0x180, s16;
	v7 =	vld [tilespmem:s15+$0xFFFFFF60];
	s17 =	sadd.s32 s17, s13  }
0x4e: {  	v8 =	vld [tilespmem:s15+$0x70];
	s17 =	sadd.s32 s18, s17;
	[tilespmem:v0+s14+$0xC70 ss:$0x1] =	vst.idx.msk $0xffff, v1  }
0x4f: {  	v9 =	vld [tilespmem:s15+$0x80];
	[tilespmem:s17+$0x10] =	vst v2  }
0x50: {  	v10 =	vld [tilespmem:s15+$0x90];
	[tilespmem:s17+$0x20] =	vst v3  }
0x51: {  	v1 =	vld [tilespmem:s15+$0xFFFFFF70];
	[tilespmem:s17+$0x30] =	vst v4  }
0x52: {  	v2 =	vld [tilespmem:s15+$0xFFFFFF80];
	[tilespmem:s17+$0x40] =	vst v5  }
0x53: {  	v3 =	vld [tilespmem:s15+$0xFFFFFF90];
	[tilespmem:s17+$0x50] =	vst v6  }
0x54: {  	v4 =	vld [tilespmem:s15+$0xFFFFFFA0];
	[tilespmem:s17+$0x60] =	vst v7  }
0x55: {  	v5 =	vld [tilespmem:s15+$0xFFFFFFB0];
	[tilespmem:v0+s14+$0x870 ss:$0x1] =	vst.idx.msk $0xffff, v8  }
0x56: {  	v6 =	vld [tilespmem:s15+$0xFFFFFFC0];
	[tilespmem:s17+$0xC00] =	vst v9  }
0x57: {  	v7 =	vld [tilespmem:s15+$0xFFFFFFD0];
	[tilespmem:v0+s14+$0xC10 ss:$0x1] =	vst.idx.msk $0xffff, v10  }
0x58: {  	[tilespmem:s17+$0x70] =	vst v1;
	v1 =	vld [tilespmem:s15+$0xFFFFFFE0]  }
0x59: {  	[tilespmem:s17+$0x400] =	vst v2;
	v2 =	vld [tilespmem:s15+$0xFFFFFFF0]  }
0x5a: {  	[tilespmem:v0+s14+$0x410 ss:$0x1] =	vst.idx.msk $0xffff, v3;
	v3 =	vld [tilespmem:s15+$0x0]  }
0x5b: {  	[tilespmem:v0+s14+$0x420 ss:$0x1] =	vst.idx.msk $0xffff, v4;
	v4 =	vld [tilespmem:s15+$0x10]  }
0x5c: {  	[tilespmem:v0+s14+$0x430 ss:$0x1] =	vst.idx.msk $0xffff, v5;
	v5 =	vld [tilespmem:s15+$0x20]  }
0x5d: {  	[tilespmem:v0+s14+$0x450 ss:$0x1] =	vst.idx.msk $0xffff, v7;
	v7 =	vld [tilespmem:s15+$0x40]  }
0x5e: {  	[tilespmem:v0+s14+$0x440 ss:$0x1] =	vst.idx.msk $0xffff, v6;
	v6 =	vld [tilespmem:s15+$0x30]  }
0x5f: {  	[tilespmem:v0+s14+$0x460 ss:$0x1] =	vst.idx.msk $0xffff, v1;
	v1 =	vld [tilespmem:s15+$0x50]  }
0x60: {  	[tilespmem:v0+s14+$0x470 ss:$0x1] =	vst.idx.msk $0xffff, v2;
	v2 =	vld [tilespmem:s15+$0x60]  }
0x61: {  	[tilespmem:v0+s14+$0x810 ss:$0x1] =	vst.idx.msk $0xffff, v4;
	v4 =	vld [tilespmem:s15+$0xA0]  }
0x62: {  	[tilespmem:v0+s14+$0x840 ss:$0x1] =	vst.idx.msk $0xffff, v7;
	v7 =	vld [tilespmem:s15+$0xB0]  }
0x63: {  	[tilespmem:s17+$0x800] =	vst v3;
	v3 =	vld [tilespmem:s15+$0xC0]  }
0x64: {  	[tilespmem:v0+s14+$0x820 ss:$0x1] =	vst.idx.msk $0xffff, v5;
	v5 =	vld [tilespmem:s15+$0xFFFFFF00]  }
0x65: {  	[tilespmem:v0+s14+$0x860 ss:$0x1] =	vst.idx.msk $0xffff, v2;
	v2 =	vld [tilespmem:s15+$0xD0]  }
0x66: {  	[tilespmem:v0+s14+$0x850 ss:$0x1] =	vst.idx.msk $0xffff, v1;
	v1 =	vld [tilespmem:s15+$0xE0];
	s15 =	sadd.s32 $0x200, s15  }
0x67: {  	s19 =	simm.s32 $0x200;
	s18 =	simm.s32 $0x400;
	[tilespmem:v0+s14+$0x830 ss:$0x1] =	vst.idx.msk $0xffff, v6;
	v6 =	vld [tilespmem:s15+$0xF0]  }
.LBB1_3:
0x68: {  	p0 =	sne.s32 s18, $0x3E00;
	v8 =	vld [tilespmem:s15+$0xFFFFFF10];
	[tilespmem:v0+s14+$0xC20 ss:$0x1] =	vst.idx.msk $0xffff, v4  }
0x69: {  	s16 =	sadd.s32 $0x80, s16;
	v4 =	vld [tilespmem:s15+$0xFFFFFF20];
	[tilespmem:v0+s14+$0xC30 ss:$0x1] =	vst.idx.msk $0xffff, v7  }
0x6a: {  	s19 =	sand.u32 $0x3000, s19;
	s20 =	sand.u32 $0x380, s16;
	s21 =	sand.u32 $0x180, s16;
	v7 =	vld [tilespmem:s15+$0xFFFFFF30];
	[tilespmem:v0+s14+$0xC40 ss:$0x1] =	vst.idx.msk $0xffff, v3  }
0x6b: {  	s20 =	sor.u32 s20, s19;
	s19 =	smov.u32 s18;
	v3 =	vld [tilespmem:s15+$0xFFFFFF40];
	[tilespmem:s17+$0x0] =	vst v5  }
0x6c: {  	s17 =	sand.u32 $0x3200, s20;
	v5 =	vld [tilespmem:s15+$0xFFFFFF50];
	[tilespmem:v0+s20+$0xC70 ss:$0x1] =	vst.idx.msk $0xffff, v6  }
0x6d: {  	s17 =	sadd.s32 s17, s13;
	v6 =	vld [tilespmem:s15+$0xFFFFFF60];
	[tilespmem:v0+s14+$0xC50 ss:$0x1] =	vst.idx.msk $0xffff, v2  }
0x6e: {  	s17 =	sadd.s32 s21, s17;
	v2 =	vld [tilespmem:s15+$0xFFFFFF70];
	[tilespmem:v0+s14+$0xC60 ss:$0x1] =	vst.idx.msk $0xffff, v1;
	s14 =	smov.u32 s20  }
0x6f: {  	[tilespmem:s17+$0x10] =	vst v8;
	v1 =	vld [tilespmem:s15+$0xFFFFFF80]  }
0x70: {  	[tilespmem:s17+$0x20] =	vst v4;
	v4 =	vld [tilespmem:s15+$0xFFFFFF90]  }
0x71: {  	[tilespmem:s17+$0x30] =	vst v7;
	v7 =	vld [tilespmem:s15+$0xFFFFFFA0]  }
0x72: {  	[tilespmem:s17+$0x40] =	vst v3;
	v3 =	vld [tilespmem:s15+$0xFFFFFFB0]  }
0x73: {  	[tilespmem:s17+$0x50] =	vst v5;
	v5 =	vld [tilespmem:s15+$0xFFFFFFC0]  }
0x74: {  	[tilespmem:s17+$0x60] =	vst v6;
	v6 =	vld [tilespmem:s15+$0xFFFFFFD0]  }
0x75: {  	[tilespmem:s17+$0x70] =	vst v2;
	v2 =	vld [tilespmem:s15+$0xFFFFFFE0]  }
0x76: {  	[tilespmem:s17+$0x400] =	vst v1;
	v1 =	vld [tilespmem:s15+$0xFFFFFFF0]  }
0x77: {  	[tilespmem:v0+s14+$0x410 ss:$0x1] =	vst.idx.msk $0xffff, v4;
	v4 =	vld [tilespmem:s15+$0x0]  }
0x78: {  	[tilespmem:v0+s14+$0x420 ss:$0x1] =	vst.idx.msk $0xffff, v7;
	v7 =	vld [tilespmem:s15+$0x10]  }
0x79: {  	[tilespmem:v0+s14+$0x430 ss:$0x1] =	vst.idx.msk $0xffff, v3;
	v3 =	vld [tilespmem:s15+$0x20]  }
0x7a: {  	[tilespmem:v0+s14+$0x440 ss:$0x1] =	vst.idx.msk $0xffff, v5;
	v5 =	vld [tilespmem:s15+$0x30]  }
0x7b: {  	[tilespmem:v0+s14+$0x450 ss:$0x1] =	vst.idx.msk $0xffff, v6;
	v6 =	vld [tilespmem:s15+$0x40]  }
0x7c: {  	[tilespmem:v0+s14+$0x460 ss:$0x1] =	vst.idx.msk $0xffff, v2;
	v2 =	vld [tilespmem:s15+$0x50]  }
0x7d: {  	[tilespmem:v0+s14+$0x470 ss:$0x1] =	vst.idx.msk $0xffff, v1;
	v1 =	vld [tilespmem:s15+$0x60]  }
0x7e: {  	[tilespmem:s17+$0x800] =	vst v4;
	v8 =	vld [tilespmem:s15+$0x70]  }
0x7f: {  	[tilespmem:v0+s14+$0x810 ss:$0x1] =	vst.idx.msk $0xffff, v7;
	v9 =	vld [tilespmem:s15+$0x80]  }
0x80: {  	[tilespmem:v0+s14+$0x820 ss:$0x1] =	vst.idx.msk $0xffff, v3;
	v10 =	vld [tilespmem:s15+$0x90]  }
0x81: {  	[tilespmem:v0+s14+$0x830 ss:$0x1] =	vst.idx.msk $0xffff, v5;
	v4 =	vld [tilespmem:s15+$0xA0]  }
0x82: {  	[tilespmem:v0+s14+$0x840 ss:$0x1] =	vst.idx.msk $0xffff, v6;
	v7 =	vld [tilespmem:s15+$0xB0]  }
.Ltmp3:
0x83: {  	[tilespmem:v0+s14+$0x850 ss:$0x1] =	vst.idx.msk $0xffff, v2;
	v3 =	vld [tilespmem:s15+$0xC0];
	(pc) =	sbr.rel @p0 .LBB1_3-.Ltmp3, $4  }
0x84: {  	[tilespmem:v0+s14+$0x860 ss:$0x1] =	vst.idx.msk $0xffff, v1;
	v2 =	vld [tilespmem:s15+$0xD0]  }
0x85: {  	[tilespmem:v0+s14+$0x870 ss:$0x1] =	vst.idx.msk $0xffff, v8;
	v1 =	vld [tilespmem:s15+$0xE0]  }
0x86: {  	v5 =	vld [tilespmem:s15+$0xFFFFFF00];
	[tilespmem:s17+$0xC00] =	vst v9;
	s15 =	sadd.s32 $0x200, s15  }
0x87: {  	s18 =	sadd.s32 $0x200, s18;
	v6 =	vld [tilespmem:s15+$0xF0];
	[tilespmem:v0+s14+$0xC10 ss:$0x1] =	vst.idx.msk $0xffff, v10  }
.Ltmp4:
0x88: {  	_ = 	snop;
	(pc) =	sbr.rel .LBB1_4-.Ltmp4, $1  }
0x89: {  	_ =	sdelay $0x3  }
.LBB1_6:
0x8a: {  	_ =	sfence.sel $0x180000  }
0x8b: {  	s2 =	simm.s32 $0x1;
	[bflag:$0x0] =	sbarrier.arrive $0xFFFF  }
0x8c: {  	s31 =	simm.s32 $0x2;
	[sflag:s2] =	ssyncpa.u1 $0x1  }
0x8d: {  	[sflag:s31] =	ssyncpa.u1 $0x1  }
0x8e: {  	p0 =	sne.s32 s0, $0x0;
	_ =	strace $0x90000047  }
0x8f: {  	s0 =	sadd.s32 @!p0 $0x100000, s1;
	[bflag:$0x2] =	sbarrier.arrive $0xFFFF  }
0x90: {  	[sflag:s0] =	ssyncadd.tile.s32 @!p0 $0x1;
	_ =	shalt  }
.Lfunc_end1:
_tile_overlayer_lowered:
.L_overlay_start_2:
0x91: {  	(tag) =	ssettag $0x2  }
0x92: {  	s0 =	rddreg [dreg:$0x0];
	s2 =	stileid.u32  }
0x93: {  	s1 =	rddreg [dreg:$0x1];
	p0 =	sne.s32 s2, $0x0  }
0x94: {  	s3 =	rddreg [dreg:$0x2];
	[bflag:$0x3] =	sbarrier.arrive $0xFFFF;
	s2 =	simm.s32 @!p0 $0x1C01  }
0x95: {  	[timem:s3], [sflag:s2] =	dma.local @!p0 [hbm:s0], s1  }
0x96: {  	s0 =	simm.s32 @!p0 $0x1  }
0x97: {  	_ =	swait.ge @!p0 [sflag:s0], s1  }
0x98: {  	s1 =	ssub.s32 @!p0 $0x0, s1;
	[sflag:s0] =	ssyncset.done @!p0 $0x0  }
0x99: {  	[sflag:s0] =	ssyncadd.s32 @!p0 s1  }
0x9a: {  	[bflag:$0x3] =	sbarrier.arrive $0xFFFF  }
0x9b: {  	_ =	shalt  }

</sc_bundles>
